<compile_context>
chip_gen: v7x
topology: tpu7x:2x2x1
jax: 0.10.2.dev20260603
libtpu: 0.0.44.dev20260713+nightly
codegen_flags: <defaults>
</compile_context>

<pallas_src>
import functools

import jax
import jax.numpy as jnp
from jax import lax
from jax.experimental import pallas as pl
from jax.experimental.pallas import tpu as pltpu
from jax.experimental.pallas import tpu_sc as plsc

_N = 10000
_E = 320000
_D = 128

_NC = 2
_NS = 16
_NW = _NC * _NS
_EPW = _E // _NW
_CHUNK = 128
_NFULL = _EPW // _CHUNK
_TAIL = _EPW - _NFULL * _CHUNK
_ZROWS = 16
_NBLK = _N // _ZROWS


def _sc_aggregate(x, row, col):
    mesh = plsc.VectorSubcoreMesh(core_axis_name="c", subcore_axis_name="s")

    @functools.partial(
        pl.kernel,
        out_type=jax.ShapeDtypeStruct((_NC, _N, _D), jnp.float32),
        mesh=mesh,
        scratch_types=[
            pltpu.VMEM((_CHUNK,), jnp.int32),
            pltpu.VMEM((_CHUNK,), jnp.int32),
            pltpu.VMEM((_CHUNK, _D), jnp.float32),
            pltpu.VMEM((_TAIL,), jnp.int32),
            pltpu.VMEM((_TAIL,), jnp.int32),
            pltpu.VMEM((_TAIL, _D), jnp.float32),
            pltpu.VMEM((_ZROWS, _D), jnp.float32),
            pltpu.VMEM_SHARED((_N, _D), jnp.float32),
        ],
    )
    def agg(x_hbm, row_hbm, col_hbm, out_hbm,
            colv, rowv, gbuf, colt, rowt, gt, zbuf, acc):
        c = lax.axis_index("c")
        s = lax.axis_index("s")
        wid = s * _NC + c

        @pl.loop(0, _ZROWS)
        def _(i):
            @pl.loop(0, _D, step=16)
            def _(j):
                zbuf[i, pl.ds(j, 16)] = jnp.zeros((16,), jnp.float32)

        @pl.loop(s, _NBLK, step=_NS)
        def _(b):
            pltpu.sync_copy(zbuf, acc.at[pl.ds(b * _ZROWS, _ZROWS)])

        plsc.subcore_barrier()

        ebase = wid * _EPW

        @pl.loop(0, _NFULL)
        def _(i):
            off = ebase + i * _CHUNK
            pltpu.sync_copy(col_hbm.at[pl.ds(off, _CHUNK)], colv)
            pltpu.sync_copy(row_hbm.at[pl.ds(off, _CHUNK)], rowv)
            pltpu.sync_copy(x_hbm.at[colv], gbuf)
            pltpu.sync_copy(gbuf, acc.at[rowv], add=True)

        offt = ebase + _NFULL * _CHUNK
        pltpu.sync_copy(col_hbm.at[pl.ds(offt, _TAIL)], colt)
        pltpu.sync_copy(row_hbm.at[pl.ds(offt, _TAIL)], rowt)
        pltpu.sync_copy(x_hbm.at[colt], gt)
        pltpu.sync_copy(gt, acc.at[rowt], add=True)

        plsc.subcore_barrier()

        @pl.loop(s, _NBLK, step=_NS)
        def _(b):
            pltpu.sync_copy(acc.at[pl.ds(b * _ZROWS, _ZROWS)],
                            out_hbm.at[c, pl.ds(b * _ZROWS, _ZROWS)])

    return agg(x, row, col)


_BLK = 1000


def _mm_body(p_ref, w_ref, b_ref, o_ref):
    agg = p_ref[0] + p_ref[1]
    o_ref[...] = jnp.dot(agg, w_ref[...],
                         preferred_element_type=jnp.float32) + b_ref[...]


def _tc_matmul(parts, weight, bias2d):
    return pl.pallas_call(
        _mm_body,
        grid=(_N // _BLK,),
        in_specs=[
            pl.BlockSpec((_NC, _BLK, _D), lambda i: (0, i, 0)),
            pl.BlockSpec((_D, _D), lambda i: (0, 0)),
            pl.BlockSpec((1, _D), lambda i: (0, 0)),
        ],
        out_specs=pl.BlockSpec((_BLK, _D), lambda i: (i, 0)),
        out_shape=jax.ShapeDtypeStruct((_N, _D), jnp.float32),
    )(parts, weight, bias2d)


def kernel(input, edge_index, weight, bias):
    row = edge_index[0].astype(jnp.int32)
    col = edge_index[1].astype(jnp.int32)
    parts = _sc_aggregate(input, row, col)
    return _tc_matmul(parts, weight, bias.reshape(1, _D))

# --- scband reference (transcript-rebuilt; emitter-appended) ---
"""Pipeline reference for scband-graph-convolution-46815143526554 (READ-ONLY COPY).

The authoritative reference and input builder live on the scoring server;
editing this copy changes nothing except your own understanding.
"""

import jax, jax.numpy as jnp
import numpy as np

N_NODES = 10000
N_EDGES = 320000
D_IN = 128
D_OUT = 128


def setup_inputs(seed: int = 0) -> dict:
    key = jax.random.key(seed)
    k1, k2, k3 = jax.random.split(key, 3)
    x = jax.random.normal(k1, (N_NODES, D_IN), dtype=jnp.float32)
    edge_index = jax.random.randint(k2, (2, N_EDGES), 0, N_NODES, dtype=jnp.int64)
    # xavier_uniform init for weight [D_IN, D_OUT]
    limit = float(np.sqrt(6.0 / (D_IN + D_OUT)))
    weight = jax.random.uniform(k3, (D_IN, D_OUT), dtype=jnp.float32, minval=-limit, maxval=limit)
    bias = jnp.full((D_OUT,), 0.1, dtype=jnp.float32)
    return {"input": x, "edge_index": edge_index, "weight": weight, "bias": bias}


def reference(input, edge_index, weight, bias):
    # support = input @ W
    support = jnp.dot(input, weight)
    # output = spmm(adj, support): adj is a binary sparse [N, N] matrix given in COO form
    # edge_index[0] = row (destination), edge_index[1] = col (source)
    row = edge_index[0]
    col = edge_index[1]
    gathered = jnp.take(support, col, axis=0)          # gather source-node features
    aggregated = jax.ops.segment_sum(gathered, row, num_segments=N_NODES)  # scatter-add to rows
    output = aggregated + bias
    return output

if __name__ == "__main__":
    import jax
    _d = setup_inputs()
    print(jax.jit(kernel)(*tuple(_d.values())))

</pallas_src>

<mosaic_0001>
#map = affine_map<(d0, d1) -> (0, 0)>
#map1 = affine_map<(d0, d1) -> (0)>
#map2 = affine_map<(d0, d1) -> (0, 0, 0)>
module attributes {stable_mosaic.version = 14 : i64} {
  func.func @agg(%arg0: i32, %arg1: i32, %arg2: memref<10000x128xf32, #tpu.memory_space<hbm>>, %arg3: memref<320000xi32, #tpu.memory_space<hbm>>, %arg4: memref<320000xi32, #tpu.memory_space<hbm>>, %arg5: memref<2x10000x128xf32, #tpu.memory_space<hbm>>, %arg6: memref<128xi32, #tpu.memory_space<vmem>>, %arg7: memref<128xi32, #tpu.memory_space<vmem>>, %arg8: memref<128x128xf32, #tpu.memory_space<vmem>>, %arg9: memref<16xi32, #tpu.memory_space<vmem>>, %arg10: memref<16xi32, #tpu.memory_space<vmem>>, %arg11: memref<16x128xf32, #tpu.memory_space<vmem>>, %arg12: memref<16x128xf32, #tpu.memory_space<vmem>>, %arg13: memref<10000x128xf32, #tpu.memory_space<vmem_shared>>) attributes {dimension_semantics = [#tpu.dimension_semantics<core_parallel>, #tpu.dimension_semantics<subcore_parallel>], iteration_bounds = array<i64: 2, 16>, scalar_prefetch = 0 : i64, scratch_operands = 8 : i64, tpu.core_type = #tpu.core_type<sc_vector_subcore>, window_params = [{transform_indices = #map}, {transform_indices = #map1}, {transform_indices = #map1}, {transform_indices = #map2}]} {
    %mul3A = arith.constant 2 : i32
    %mul3A_0 = arith.muli %arg1, %mul3A : i32
    %add3A = arith.addi %mul3A_0, %arg0 : i32
    %scan3A = arith.constant 0 : i32
    %scan3A_1 = arith.constant 16 : i32
    %scan3A_2 = arith.addi %scan3A, %scan3A_1 : i32
    %scan3A_3 = arith.constant 1 : i32
    scf.for %scan3A_48 = %scan3A to %scan3A_2 step %scan3A_3  : i32 {
      %mul3A_49 = arith.constant 1 : i32
      %mul3A_50 = arith.muli %scan3A_48, %mul3A_49 : i32
      %add3A_51 = arith.constant 0 : i32
      %add3A_52 = arith.addi %add3A_51, %mul3A_50 : i32
      %scan3A_53 = arith.constant 0 : i32
      %scan3A_54 = arith.constant 8 : i32
      %scan3A_55 = arith.addi %scan3A_53, %scan3A_54 : i32
      %scan3A_56 = arith.constant 1 : i32
      scf.for %scan3A_58 = %scan3A_53 to %scan3A_55 step %scan3A_56  : i32 {
        %mul3A_59 = arith.constant 16 : i32
        %mul3A_60 = arith.muli %scan3A_58, %mul3A_59 : i32
        %add3A_61 = arith.constant 0 : i32
        %add3A_62 = arith.addi %add3A_61, %mul3A_60 : i32
        %broadcast_in_dim3A = arith.constant 0.000000e+00 : f32
        %broadcast_in_dim3A_63 = vector.broadcast %broadcast_in_dim3A : f32 to vector<16xf32>
        %swap3A = arith.index_cast %add3A_52 : i32 to index
        %swap3A_64 = arith.index_cast %add3A_62 : i32 to index
        %swap3A_65 = tpu.vector_load %arg12[%swap3A, %swap3A_64] {strides = array<i32>} : memref<16x128xf32, #tpu.memory_space<vmem>>, vector<1x16xf32>,
        %swap3A_66 = vector.shape_cast %swap3A_65 : vector<1x16xf32> to vector<16xf32>
        %swap3A_67 = vector.shape_cast %broadcast_in_dim3A_63 : vector<16xf32> to vector<1x16xf32>
        tpu.vector_store %arg12[%swap3A, %swap3A_64], %swap3A_67 {strides = array<i32>} : memref<16x128xf32, #tpu.memory_space<vmem>>, vector<1x16xf32>,
      }
      %scan3A_57 = arith.constant 8 : i32
    }
    %scan3A_4 = arith.constant 16 : i32
    %sub3A = arith.constant 625 : i32
    %sub3A_5 = arith.subi %sub3A, %arg1 : i32
    %sub3A_6 = arith.constant 16 : i32
    %sub3A_7 = arith.constant 1 : i32
    %sub3A_8 = arith.subi %sub3A_6, %sub3A_7 : i32
    %add3A_9 = arith.addi %sub3A_5, %sub3A_8 : i32
    %div3A = arith.constant 16 : i32
    %div3A_10 = arith.divsi %add3A_9, %div3A : i32
    %while3A = arith.constant 16 : i32
    %while3A_11 = arith.constant 0 : i32
    %while3A_12 = arith.subi %div3A_10, %while3A_11 : i32
    %while3A_13 = arith.addi %while3A_11, %while3A_12 : i32
    %while3A_14 = arith.constant 1 : i32
    %while3A_15 = arith.divsi %while3A_12, %while3A_14 : i32
    %while3A_16 = arith.muli %while3A_15, %while3A_14 : i32
    %while3A_17 = arith.addi %while3A_11, %while3A_16 : i32
    %while3A_18 = arith.constant 1 : i32
    scf.for %while3A_48 = %while3A_11 to %while3A_17 step %while3A_18  : i32 {
      %mul3A_49 = arith.muli %while3A_48, %while3A : i32
      %add3A_50 = arith.addi %arg1, %mul3A_49 : i32
      %mul3A_51 = arith.constant 16 : i32
      %mul3A_52 = arith.muli %add3A_50, %mul3A_51 : i32
      "tpu.region"() ({
        %run_scoped3A = tpu.sem_alloc : memref<!tpu.dma_semaphore, #tpu.memory_space<semaphore_mem>>
        %dma_start3A = arith.constant 0 : i32
        %dma_start3A_53 = tpu.memref_slice %arg13[%mul3A_52, %dma_start3A] : memref<10000x128xf32, #tpu.memory_space<vmem_shared>> -> memref<16x128xf32, #tpu.memory_space<vmem_shared>>
        %dma_start3A_54 = arith.constant 0 : i32
        %dma_start3A_55 = tpu.memref_slice %arg13[%mul3A_52, %dma_start3A_54] : memref<10000x128xf32, #tpu.memory_space<vmem_shared>> -> memref<16x128xf32, #tpu.memory_space<vmem_shared>>
        tpu.enqueue_dma source(%arg12 : memref<16x128xf32, #tpu.memory_space<vmem>>) target(%dma_start3A_55 : memref<16x128xf32, #tpu.memory_space<vmem_shared>>) target_semaphore(%run_scoped3A : memref<!tpu.dma_semaphore, #tpu.memory_space<semaphore_mem>>)
        %dma_wait3A = arith.constant 0 : i32
        %dma_wait3A_56 = tpu.memref_slice %arg13[%mul3A_52, %dma_wait3A] : memref<10000x128xf32, #tpu.memory_space<vmem_shared>> -> memref<16x128xf32, #tpu.memory_space<vmem_shared>>
        %dma_wait3A_57 = arith.constant 0 : i32
        %dma_wait3A_58 = tpu.memref_slice %arg13[%mul3A_52, %dma_wait3A_57] : memref<10000x128xf32, #tpu.memory_space<vmem_shared>> -> memref<16x128xf32, #tpu.memory_space<vmem_shared>>
        tpu.wait_dma2 semaphore(%run_scoped3A : memref<!tpu.dma_semaphore, #tpu.memory_space<semaphore_mem>>) src(%arg12 : memref<16x128xf32, #tpu.memory_space<vmem>>) dst(%dma_wait3A_58 : memref<16x128xf32, #tpu.memory_space<vmem_shared>>)
        tpu.yield
      }) : () -> ()
    }
    %while3A_19 = arith.constant 1 : i32
    scf.for %while3A_48 = %while3A_17 to %while3A_13 step %while3A_19  : i32 {
      %mul3A_49 = arith.muli %while3A_48, %while3A : i32
      %add3A_50 = arith.addi %arg1, %mul3A_49 : i32
      %mul3A_51 = arith.constant 16 : i32
      %mul3A_52 = arith.muli %add3A_50, %mul3A_51 : i32
      "tpu.region"() ({
        %run_scoped3A = tpu.sem_alloc : memref<!tpu.dma_semaphore, #tpu.memory_space<semaphore_mem>>
        %dma_start3A = arith.constant 0 : i32
        %dma_start3A_53 = tpu.memref_slice %arg13[%mul3A_52, %dma_start3A] : memref<10000x128xf32, #tpu.memory_space<vmem_shared>> -> memref<16x128xf32, #tpu.memory_space<vmem_shared>>
        %dma_start3A_54 = arith.constant 0 : i32
        %dma_start3A_55 = tpu.memref_slice %arg13[%mul3A_52, %dma_start3A_54] : memref<10000x128xf32, #tpu.memory_space<vmem_shared>> -> memref<16x128xf32, #tpu.memory_space<vmem_shared>>
        tpu.enqueue_dma source(%arg12 : memref<16x128xf32, #tpu.memory_space<vmem>>) target(%dma_start3A_55 : memref<16x128xf32, #tpu.memory_space<vmem_shared>>) target_semaphore(%run_scoped3A : memref<!tpu.dma_semaphore, #tpu.memory_space<semaphore_mem>>)
        %dma_wait3A = arith.constant 0 : i32
        %dma_wait3A_56 = tpu.memref_slice %arg13[%mul3A_52, %dma_wait3A] : memref<10000x128xf32, #tpu.memory_space<vmem_shared>> -> memref<16x128xf32, #tpu.memory_space<vmem_shared>>
        %dma_wait3A_57 = arith.constant 0 : i32
        %dma_wait3A_58 = tpu.memref_slice %arg13[%mul3A_52, %dma_wait3A_57] : memref<10000x128xf32, #tpu.memory_space<vmem_shared>> -> memref<16x128xf32, #tpu.memory_space<vmem_shared>>
        tpu.wait_dma2 semaphore(%run_scoped3A : memref<!tpu.dma_semaphore, #tpu.memory_space<semaphore_mem>>) src(%arg12 : memref<16x128xf32, #tpu.memory_space<vmem>>) dst(%dma_wait3A_58 : memref<16x128xf32, #tpu.memory_space<vmem_shared>>)
        tpu.yield
      }) : () -> ()
    }
    %barrier3A = arith.constant 0 : index
    tpu.barrier barrier_id(%barrier3A)
    %mul3A_20 = arith.constant 10000 : i32
    %mul3A_21 = arith.muli %add3A, %mul3A_20 : i32
    %scan3A_22 = arith.constant 0 : i32
    %scan3A_23 = arith.constant 78 : i32
    %scan3A_24 = arith.addi %scan3A_22, %scan3A_23 : i32
    %scan3A_25 = arith.constant 1 : i32
    scf.for %scan3A_48 = %scan3A_22 to %scan3A_24 step %scan3A_25  : i32 {
      %mul3A_49 = arith.constant 1 : i32
      %mul3A_50 = arith.muli %scan3A_48, %mul3A_49 : i32
      %add3A_51 = arith.constant 0 : i32
      %add3A_52 = arith.addi %add3A_51, %mul3A_50 : i32
      %mul3A_53 = arith.constant 128 : i32
      %mul3A_54 = arith.muli %add3A_52, %mul3A_53 : i32
      %add3A_55 = arith.addi %mul3A_21, %mul3A_54 : i32
      "tpu.region"() ({
        %run_scoped3A = tpu.sem_alloc : memref<!tpu.dma_semaphore, #tpu.memory_space<semaphore_mem>>
        %dma_start3A = tpu.memref_slice %arg4[%add3A_55] : memref<320000xi32, #tpu.memory_space<hbm>> -> memref<128xi32, #tpu.memory_space<hbm>>
        %dma_start3A_56 = tpu.memref_slice %arg4[%add3A_55] : memref<320000xi32, #tpu.memory_space<hbm>> -> memref<128xi32, #tpu.memory_space<hbm>>
        tpu.enqueue_dma source(%dma_start3A_56 : memref<128xi32, #tpu.memory_space<hbm>>) target(%arg6 : memref<128xi32, #tpu.memory_space<vmem>>) target_semaphore(%run_scoped3A : memref<!tpu.dma_semaphore, #tpu.memory_space<semaphore_mem>>)
        %dma_wait3A = tpu.memref_slice %arg4[%add3A_55] : memref<320000xi32, #tpu.memory_space<hbm>> -> memref<128xi32, #tpu.memory_space<hbm>>
        %dma_wait3A_57 = tpu.memref_slice %arg4[%add3A_55] : memref<320000xi32, #tpu.memory_space<hbm>> -> memref<128xi32, #tpu.memory_space<hbm>>
        tpu.wait_dma2 semaphore(%run_scoped3A : memref<!tpu.dma_semaphore, #tpu.memory_space<semaphore_mem>>) src(%dma_wait3A_57 : memref<128xi32, #tpu.memory_space<hbm>>) dst(%arg6 : memref<128xi32, #tpu.memory_space<vmem>>)
        tpu.yield
      }) : () -> ()
      "tpu.region"() ({
        %run_scoped3A = tpu.sem_alloc : memref<!tpu.dma_semaphore, #tpu.memory_space<semaphore_mem>>
        %dma_start3A = tpu.memref_slice %arg3[%add3A_55] : memref<320000xi32, #tpu.memory_space<hbm>> -> memref<128xi32, #tpu.memory_space<hbm>>
        %dma_start3A_56 = tpu.memref_slice %arg3[%add3A_55] : memref<320000xi32, #tpu.memory_space<hbm>> -> memref<128xi32, #tpu.memory_space<hbm>>
        tpu.enqueue_dma source(%dma_start3A_56 : memref<128xi32, #tpu.memory_space<hbm>>) target(%arg7 : memref<128xi32, #tpu.memory_space<vmem>>) target_semaphore(%run_scoped3A : memref<!tpu.dma_semaphore, #tpu.memory_space<semaphore_mem>>)
        %dma_wait3A = tpu.memref_slice %arg3[%add3A_55] : memref<320000xi32, #tpu.memory_space<hbm>> -> memref<128xi32, #tpu.memory_space<hbm>>
        %dma_wait3A_57 = tpu.memref_slice %arg3[%add3A_55] : memref<320000xi32, #tpu.memory_space<hbm>> -> memref<128xi32, #tpu.memory_space<hbm>>
        tpu.wait_dma2 semaphore(%run_scoped3A : memref<!tpu.dma_semaphore, #tpu.memory_space<semaphore_mem>>) src(%dma_wait3A_57 : memref<128xi32, #tpu.memory_space<hbm>>) dst(%arg7 : memref<128xi32, #tpu.memory_space<vmem>>)
        tpu.yield
      }) : () -> ()
      "tpu.region"() ({
        %run_scoped3A = tpu.sem_alloc : memref<!tpu.dma_semaphore, #tpu.memory_space<semaphore_mem>>
        %dma_start3A = arith.constant 0 : i32
        %dma_start3A_56 = arith.constant 0 : i32
        %dma_start3A_57 = tpu.memref_slice %arg2[%dma_start3A, %dma_start3A_56] : memref<10000x128xf32, #tpu.memory_space<hbm>> -> memref<10000x128xf32, #tpu.memory_space<hbm>>
        tpu.enqueue_indirect_dma source(%dma_start3A_57 : memref<10000x128xf32, #tpu.memory_space<hbm>>) target(%arg8 : memref<128x128xf32, #tpu.memory_space<vmem>>) offsets(%arg6 : memref<128xi32, #tpu.memory_space<vmem>>) semaphore(%run_scoped3A : memref<!tpu.dma_semaphore, #tpu.memory_space<semaphore_mem>>)
        %dma_wait3A = arith.constant 0 : i32
        %dma_wait3A_58 = arith.constant 0 : i32
        %dma_wait3A_59 = tpu.memref_slice %arg2[%dma_wait3A, %dma_wait3A_58] : memref<10000x128xf32, #tpu.memory_space<hbm>> -> memref<10000x128xf32, #tpu.memory_space<hbm>>
        tpu.wait_indirect_dma semaphore(%run_scoped3A : memref<!tpu.dma_semaphore, #tpu.memory_space<semaphore_mem>>) src(%dma_wait3A_59 : memref<10000x128xf32, #tpu.memory_space<hbm>>) dst(%arg8 : memref<128x128xf32, #tpu.memory_space<vmem>>)
        tpu.yield
      }) : () -> ()
      "tpu.region"() ({
        %run_scoped3A = tpu.sem_alloc : memref<!tpu.dma_semaphore, #tpu.memory_space<semaphore_mem>>
        %dma_start3A = arith.constant 0 : i32
        %dma_start3A_56 = arith.constant 0 : i32
        %dma_start3A_57 = tpu.memref_slice %arg13[%dma_start3A, %dma_start3A_56] : memref<10000x128xf32, #tpu.memory_space<vmem_shared>> -> memref<10000x128xf32, #tpu.memory_space<vmem_shared>>
        tpu.enqueue_indirect_dma source(%arg8 : memref<128x128xf32, #tpu.memory_space<vmem>>) target(%dma_start3A_57 : memref<10000x128xf32, #tpu.memory_space<vmem_shared>>) offsets(%arg7 : memref<128xi32, #tpu.memory_space<vmem>>) semaphore(%run_scoped3A : memref<!tpu.dma_semaphore, #tpu.memory_space<semaphore_mem>>) {add = true}
        %dma_wait3A = arith.constant 0 : i32
        %dma_wait3A_58 = arith.constant 0 : i32
        %dma_wait3A_59 = tpu.memref_slice %arg13[%dma_wait3A, %dma_wait3A_58] : memref<10000x128xf32, #tpu.memory_space<vmem_shared>> -> memref<10000x128xf32, #tpu.memory_space<vmem_shared>>
        tpu.wait_indirect_dma semaphore(%run_scoped3A : memref<!tpu.dma_semaphore, #tpu.memory_space<semaphore_mem>>) src(%arg8 : memref<128x128xf32, #tpu.memory_space<vmem>>) dst(%dma_wait3A_59 : memref<10000x128xf32, #tpu.memory_space<vmem_shared>>)
        tpu.yield
      }) : () -> ()
    }
    %scan3A_26 = arith.constant 78 : i32
    %add3A_27 = arith.constant 9984 : i32
    %add3A_28 = arith.addi %mul3A_21, %add3A_27 : i32
    "tpu.region"() ({
      %run_scoped3A = tpu.sem_alloc : memref<!tpu.dma_semaphore, #tpu.memory_space<semaphore_mem>>
      %dma_start3A = tpu.memref_slice %arg4[%add3A_28] : memref<320000xi32, #tpu.memory_space<hbm>> -> memref<16xi32, #tpu.memory_space<hbm>>
      %dma_start3A_48 = tpu.memref_slice %arg4[%add3A_28] : memref<320000xi32, #tpu.memory_space<hbm>> -> memref<16xi32, #tpu.memory_space<hbm>>
      tpu.enqueue_dma source(%dma_start3A_48 : memref<16xi32, #tpu.memory_space<hbm>>) target(%arg9 : memref<16xi32, #tpu.memory_space<vmem>>) target_semaphore(%run_scoped3A : memref<!tpu.dma_semaphore, #tpu.memory_space<semaphore_mem>>)
      %dma_wait3A = tpu.memref_slice %arg4[%add3A_28] : memref<320000xi32, #tpu.memory_space<hbm>> -> memref<16xi32, #tpu.memory_space<hbm>>
      %dma_wait3A_49 = tpu.memref_slice %arg4[%add3A_28] : memref<320000xi32, #tpu.memory_space<hbm>> -> memref<16xi32, #tpu.memory_space<hbm>>
      tpu.wait_dma2 semaphore(%run_scoped3A : memref<!tpu.dma_semaphore, #tpu.memory_space<semaphore_mem>>) src(%dma_wait3A_49 : memref<16xi32, #tpu.memory_space<hbm>>) dst(%arg9 : memref<16xi32, #tpu.memory_space<vmem>>)
      tpu.yield
    }) : () -> ()
    "tpu.region"() ({
      %run_scoped3A = tpu.sem_alloc : memref<!tpu.dma_semaphore, #tpu.memory_space<semaphore_mem>>
      %dma_start3A = tpu.memref_slice %arg3[%add3A_28] : memref<320000xi32, #tpu.memory_space<hbm>> -> memref<16xi32, #tpu.memory_space<hbm>>
      %dma_start3A_48 = tpu.memref_slice %arg3[%add3A_28] : memref<320000xi32, #tpu.memory_space<hbm>> -> memref<16xi32, #tpu.memory_space<hbm>>
      tpu.enqueue_dma source(%dma_start3A_48 : memref<16xi32, #tpu.memory_space<hbm>>) target(%arg10 : memref<16xi32, #tpu.memory_space<vmem>>) target_semaphore(%run_scoped3A : memref<!tpu.dma_semaphore, #tpu.memory_space<semaphore_mem>>)
      %dma_wait3A = tpu.memref_slice %arg3[%add3A_28] : memref<320000xi32, #tpu.memory_space<hbm>> -> memref<16xi32, #tpu.memory_space<hbm>>
      %dma_wait3A_49 = tpu.memref_slice %arg3[%add3A_28] : memref<320000xi32, #tpu.memory_space<hbm>> -> memref<16xi32, #tpu.memory_space<hbm>>
      tpu.wait_dma2 semaphore(%run_scoped3A : memref<!tpu.dma_semaphore, #tpu.memory_space<semaphore_mem>>) src(%dma_wait3A_49 : memref<16xi32, #tpu.memory_space<hbm>>) dst(%arg10 : memref<16xi32, #tpu.memory_space<vmem>>)
      tpu.yield
    }) : () -> ()
    "tpu.region"() ({
      %run_scoped3A = tpu.sem_alloc : memref<!tpu.dma_semaphore, #tpu.memory_space<semaphore_mem>>
      %dma_start3A = arith.constant 0 : i32
      %dma_start3A_48 = arith.constant 0 : i32
      %dma_start3A_49 = tpu.memref_slice %arg2[%dma_start3A, %dma_start3A_48] : memref<10000x128xf32, #tpu.memory_space<hbm>> -> memref<10000x128xf32, #tpu.memory_space<hbm>>
      tpu.enqueue_indirect_dma source(%dma_start3A_49 : memref<10000x128xf32, #tpu.memory_space<hbm>>) target(%arg11 : memref<16x128xf32, #tpu.memory_space<vmem>>) offsets(%arg9 : memref<16xi32, #tpu.memory_space<vmem>>) semaphore(%run_scoped3A : memref<!tpu.dma_semaphore, #tpu.memory_space<semaphore_mem>>)
      %dma_wait3A = arith.constant 0 : i32
      %dma_wait3A_50 = arith.constant 0 : i32
      %dma_wait3A_51 = tpu.memref_slice %arg2[%dma_wait3A, %dma_wait3A_50] : memref<10000x128xf32, #tpu.memory_space<hbm>> -> memref<10000x128xf32, #tpu.memory_space<hbm>>
      tpu.wait_indirect_dma semaphore(%run_scoped3A : memref<!tpu.dma_semaphore, #tpu.memory_space<semaphore_mem>>) src(%dma_wait3A_51 : memref<10000x128xf32, #tpu.memory_space<hbm>>) dst(%arg11 : memref<16x128xf32, #tpu.memory_space<vmem>>)
      tpu.yield
    }) : () -> ()
    "tpu.region"() ({
      %run_scoped3A = tpu.sem_alloc : memref<!tpu.dma_semaphore, #tpu.memory_space<semaphore_mem>>
      %dma_start3A = arith.constant 0 : i32
      %dma_start3A_48 = arith.constant 0 : i32
      %dma_start3A_49 = tpu.memref_slice %arg13[%dma_start3A, %dma_start3A_48] : memref<10000x128xf32, #tpu.memory_space<vmem_shared>> -> memref<10000x128xf32, #tpu.memory_space<vmem_shared>>
      tpu.enqueue_indirect_dma source(%arg11 : memref<16x128xf32, #tpu.memory_space<vmem>>) target(%dma_start3A_49 : memref<10000x128xf32, #tpu.memory_space<vmem_shared>>) offsets(%arg10 : memref<16xi32, #tpu.memory_space<vmem>>) semaphore(%run_scoped3A : memref<!tpu.dma_semaphore, #tpu.memory_space<semaphore_mem>>) {add = true}
      %dma_wait3A = arith.constant 0 : i32
      %dma_wait3A_50 = arith.constant 0 : i32
      %dma_wait3A_51 = tpu.memref_slice %arg13[%dma_wait3A, %dma_wait3A_50] : memref<10000x128xf32, #tpu.memory_space<vmem_shared>> -> memref<10000x128xf32, #tpu.memory_space<vmem_shared>>
      tpu.wait_indirect_dma semaphore(%run_scoped3A : memref<!tpu.dma_semaphore, #tpu.memory_space<semaphore_mem>>) src(%arg11 : memref<16x128xf32, #tpu.memory_space<vmem>>) dst(%dma_wait3A_51 : memref<10000x128xf32, #tpu.memory_space<vmem_shared>>)
      tpu.yield
    }) : () -> ()
    %barrier3A_29 = arith.constant 0 : index
    tpu.barrier barrier_id(%barrier3A_29)
    %sub3A_30 = arith.constant 625 : i32
    %sub3A_31 = arith.subi %sub3A_30, %arg1 : i32
    %sub3A_32 = arith.constant 16 : i32
    %sub3A_33 = arith.constant 1 : i32
    %sub3A_34 = arith.subi %sub3A_32, %sub3A_33 : i32
    %add3A_35 = arith.addi %sub3A_31, %sub3A_34 : i32
    %div3A_36 = arith.constant 16 : i32
    %div3A_37 = arith.divsi %add3A_35, %div3A_36 : i32
    %while3A_38 = arith.constant 16 : i32
    %while3A_39 = arith.constant 0 : i32
    %while3A_40 = arith.subi %div3A_37, %while3A_39 : i32
    %while3A_41 = arith.addi %while3A_39, %while3A_40 : i32
    %while3A_42 = arith.constant 1 : i32
    %while3A_43 = arith.divsi %while3A_40, %while3A_42 : i32
    %while3A_44 = arith.muli %while3A_43, %while3A_42 : i32
    %while3A_45 = arith.addi %while3A_39, %while3A_44 : i32
    %while3A_46 = arith.constant 1 : i32
    scf.for %while3A_48 = %while3A_39 to %while3A_45 step %while3A_46  : i32 {
      %mul3A_49 = arith.muli %while3A_48, %while3A_38 : i32
      %add3A_50 = arith.addi %arg1, %mul3A_49 : i32
      %mul3A_51 = arith.constant 16 : i32
      %mul3A_52 = arith.muli %add3A_50, %mul3A_51 : i32
      %mul3A_53 = arith.constant 16 : i32
      %mul3A_54 = arith.muli %add3A_50, %mul3A_53 : i32
      "tpu.region"() ({
        %run_scoped3A = tpu.sem_alloc : memref<!tpu.dma_semaphore, #tpu.memory_space<semaphore_mem>>
        %dma_start3A = arith.constant 0 : i32
        %dma_start3A_55 = tpu.memref_slice %arg5[%arg0, %mul3A_54, %dma_start3A] : memref<2x10000x128xf32, #tpu.memory_space<hbm>> -> memref<1x16x128xf32, #tpu.memory_space<hbm>>
        %dma_start3A_56 = tpu.memref_squeeze %dma_start3A_55 : memref<1x16x128xf32, #tpu.memory_space<hbm>> -> memref<16x128xf32, #tpu.memory_space<hbm>>
        %dma_start3A_57 = arith.constant 0 : i32
        %dma_start3A_58 = tpu.memref_slice %arg13[%mul3A_52, %dma_start3A_57] : memref<10000x128xf32, #tpu.memory_space<vmem_shared>> -> memref<16x128xf32, #tpu.memory_space<vmem_shared>>
        tpu.enqueue_dma source(%dma_start3A_58 : memref<16x128xf32, #tpu.memory_space<vmem_shared>>) target(%dma_start3A_56 : memref<16x128xf32, #tpu.memory_space<hbm>>) target_semaphore(%run_scoped3A : memref<!tpu.dma_semaphore, #tpu.memory_space<semaphore_mem>>)
        %dma_wait3A = arith.constant 0 : i32
        %dma_wait3A_59 = tpu.memref_slice %arg5[%arg0, %mul3A_54, %dma_wait3A] : memref<2x10000x128xf32, #tpu.memory_space<hbm>> -> memref<1x16x128xf32, #tpu.memory_space<hbm>>
        %dma_wait3A_60 = tpu.memref_squeeze %dma_wait3A_59 : memref<1x16x128xf32, #tpu.memory_space<hbm>> -> memref<16x128xf32, #tpu.memory_space<hbm>>
        %dma_wait3A_61 = arith.constant 0 : i32
        %dma_wait3A_62 = tpu.memref_slice %arg13[%mul3A_52, %dma_wait3A_61] : memref<10000x128xf32, #tpu.memory_space<vmem_shared>> -> memref<16x128xf32, #tpu.memory_space<vmem_shared>>
        tpu.wait_dma2 semaphore(%run_scoped3A : memref<!tpu.dma_semaphore, #tpu.memory_space<semaphore_mem>>) src(%dma_wait3A_62 : memref<16x128xf32, #tpu.memory_space<vmem_shared>>) dst(%dma_wait3A_60 : memref<16x128xf32, #tpu.memory_space<hbm>>)
        tpu.yield
      }) : () -> ()
    }
    %while3A_47 = arith.constant 1 : i32
    scf.for %while3A_48 = %while3A_45 to %while3A_41 step %while3A_47  : i32 {
      %mul3A_49 = arith.muli %while3A_48, %while3A_38 : i32
      %add3A_50 = arith.addi %arg1, %mul3A_49 : i32
      %mul3A_51 = arith.constant 16 : i32
      %mul3A_52 = arith.muli %add3A_50, %mul3A_51 : i32
      %mul3A_53 = arith.constant 16 : i32
      %mul3A_54 = arith.muli %add3A_50, %mul3A_53 : i32
      "tpu.region"() ({
        %run_scoped3A = tpu.sem_alloc : memref<!tpu.dma_semaphore, #tpu.memory_space<semaphore_mem>>
        %dma_start3A = arith.constant 0 : i32
        %dma_start3A_55 = tpu.memref_slice %arg5[%arg0, %mul3A_54, %dma_start3A] : memref<2x10000x128xf32, #tpu.memory_space<hbm>> -> memref<1x16x128xf32, #tpu.memory_space<hbm>>
        %dma_start3A_56 = tpu.memref_squeeze %dma_start3A_55 : memref<1x16x128xf32, #tpu.memory_space<hbm>> -> memref<16x128xf32, #tpu.memory_space<hbm>>
        %dma_start3A_57 = arith.constant 0 : i32
        %dma_start3A_58 = tpu.memref_slice %arg13[%mul3A_52, %dma_start3A_57] : memref<10000x128xf32, #tpu.memory_space<vmem_shared>> -> memref<16x128xf32, #tpu.memory_space<vmem_shared>>
        tpu.enqueue_dma source(%dma_start3A_58 : memref<16x128xf32, #tpu.memory_space<vmem_shared>>) target(%dma_start3A_56 : memref<16x128xf32, #tpu.memory_space<hbm>>) target_semaphore(%run_scoped3A : memref<!tpu.dma_semaphore, #tpu.memory_space<semaphore_mem>>)
        %dma_wait3A = arith.constant 0 : i32
        %dma_wait3A_59 = tpu.memref_slice %arg5[%arg0, %mul3A_54, %dma_wait3A] : memref<2x10000x128xf32, #tpu.memory_space<hbm>> -> memref<1x16x128xf32, #tpu.memory_space<hbm>>
        %dma_wait3A_60 = tpu.memref_squeeze %dma_wait3A_59 : memref<1x16x128xf32, #tpu.memory_space<hbm>> -> memref<16x128xf32, #tpu.memory_space<hbm>>
        %dma_wait3A_61 = arith.constant 0 : i32
        %dma_wait3A_62 = tpu.memref_slice %arg13[%mul3A_52, %dma_wait3A_61] : memref<10000x128xf32, #tpu.memory_space<vmem_shared>> -> memref<16x128xf32, #tpu.memory_space<vmem_shared>>
        tpu.wait_dma2 semaphore(%run_scoped3A : memref<!tpu.dma_semaphore, #tpu.memory_space<semaphore_mem>>) src(%dma_wait3A_62 : memref<16x128xf32, #tpu.memory_space<vmem_shared>>) dst(%dma_wait3A_60 : memref<16x128xf32, #tpu.memory_space<hbm>>)
        tpu.yield
      }) : () -> ()
    }
    return
  }
}

module attributes {stable_mosaic.version = 14 : i64} {
  func.func @_mm_body(%arg0: i32, %arg1: memref<2x1000x128xf32, #tpu.memory_space<vmem>>, %arg2: memref<128x128xf32, #tpu.memory_space<vmem>>, %arg3: memref<1x128xf32, #tpu.memory_space<vmem>>, %arg4: memref<1000x128xf32, #tpu.memory_space<vmem>>) attributes {dimension_semantics = [#tpu.dimension_semantics<arbitrary>], iteration_bounds = array<i64: 10>, scalar_prefetch = 0 : i64, scratch_operands = 0 : i64, tpu.core_type = #tpu.core_type<tc>, window_params = [{transform_indices = @transform_0, window_bounds = array<i64: 2, 1000, 128>}, {pipeline_mode = #tpu.pipeline_mode<synchronous>, transform_indices = @transform_1, window_bounds = array<i64: 128, 128>}, {pipeline_mode = #tpu.pipeline_mode<synchronous>, transform_indices = @transform_2, window_bounds = array<i64: 1, 128>}, {transform_indices = @transform_3, window_bounds = array<i64: 1000, 128>}]} {
    %get3A = arith.constant 0 : index
    %get3A_0 = arith.constant 0 : index
    %get3A_1 = arith.constant 0 : index
    %get3A_2 = vector.load %arg1[%get3A, %get3A_0, %get3A_1] : memref<2x1000x128xf32, #tpu.memory_space<vmem>>, vector<1x1000x128xf32>
    %get3A_3 = vector.shape_cast %get3A_2 : vector<1x1000x128xf32> to vector<1000x128xf32>
    %get3A_4 = arith.constant 1 : index
    %get3A_5 = arith.constant 0 : index
    %get3A_6 = arith.constant 0 : index
    %get3A_7 = vector.load %arg1[%get3A_4, %get3A_5, %get3A_6] : memref<2x1000x128xf32, #tpu.memory_space<vmem>>, vector<1x1000x128xf32>
    %get3A_8 = vector.shape_cast %get3A_7 : vector<1x1000x128xf32> to vector<1000x128xf32>
    %add3A = arith.addf %get3A_3, %get3A_8 : vector<1000x128xf32>
    %get3A_9 = arith.constant 0 : index
    %get3A_10 = arith.constant 0 : index
    %get3A_11 = vector.load %arg2[%get3A_9, %get3A_10] : memref<128x128xf32, #tpu.memory_space<vmem>>, vector<128x128xf32>
    %dot_general3A = arith.constant dense<0.000000e+00> : vector<1000x128xf32>
    %dot_general3A_12 = tpu.matmul %add3A, %get3A_11, %dot_general3A {dimension_numbers = #tpu.dot_dimension_numbers<[1], [0], [0], [1], [0, 0, 1, 1], [], []>, transpose_lhs_hint = false} : vector<1000x128xf32>, vector<128x128xf32>, vector<1000x128xf32> -> vector<1000x128xf32>
    %get3A_13 = arith.constant 0 : index
    %get3A_14 = arith.constant 0 : index
    %get3A_15 = vector.load %arg3[%get3A_13, %get3A_14] : memref<1x128xf32, #tpu.memory_space<vmem>>, vector<1x128xf32>
    %add3A_16 = vector.broadcast %get3A_15 : vector<1x128xf32> to vector<1000x128xf32>
    %add3A_17 = arith.addf %dot_general3A_12, %add3A_16 : vector<1000x128xf32>
    %swap3A = arith.constant 0 : index
    %swap3A_18 = arith.constant 0 : index
    %swap3A_19 = vector.load %arg4[%swap3A, %swap3A_18] : memref<1000x128xf32, #tpu.memory_space<vmem>>, vector<1000x128xf32>
    tpu.vector_store %arg4[%swap3A, %swap3A_18], %add3A_17 {strides = array<i32>} : memref<1000x128xf32, #tpu.memory_space<vmem>>, vector<1000x128xf32>,
    return
  }
  func.func @transform_0(%arg0: i32) -> (i32, i32, i32) {
    %c0_i32 = arith.constant 0 : i32
    %c0_i32_0 = arith.constant 0 : i32
    %c0_i32_1 = arith.constant 0 : i32
    return %c0_i32, %arg0, %c0_i32_0 : i32, i32, i32
  }
  func.func @transform_1(%arg0: i32) -> (i32, i32) {
    %c0_i32 = arith.constant 0 : i32
    %c0_i32_0 = arith.constant 0 : i32
    %c0_i32_1 = arith.constant 0 : i32
    return %c0_i32, %c0_i32_0 : i32, i32
  }
  func.func @transform_2(%arg0: i32) -> (i32, i32) {
    %c0_i32 = arith.constant 0 : i32
    %c0_i32_0 = arith.constant 0 : i32
    %c0_i32_1 = arith.constant 0 : i32
    return %c0_i32, %c0_i32_0 : i32, i32
  }
  func.func @transform_3(%arg0: i32) -> (i32, i32) {
    %c0_i32 = arith.constant 0 : i32
    %c0_i32_0 = arith.constant 0 : i32
    return %arg0, %c0_i32 : i32, i32
  }
}

</mosaic_0001>

<sc_bundles>
// kernel: kernel.4.cloned.1.call-start
scs
__scs_entry_jumppad:
0x0: {  	(pc) =	sbr.rel $0x88, $3  }
0x1: {  	(tag) =	ssettag $0x0;
	lr =	simm.s32 $0x1  }
0x2: {  	[smem:$0x3F9D] =	sst lr;
	_ =	strace $0xD0000000  }
0x3: {  	_ = 	snop  }
0x4: {  	_ = 	snop  }
0x5: {  	_ = 	snop  }
0x6: {  	_ = 	snop  }
0x7: {  	_ = 	snop  }
__scs_overlays_trampoline_lowered:
0x8: {  	[smem:$0x3FAC] =	sst s0  }
0x9: {  	[smem:$0x3FAD] =	sst s1  }
0xa: {  	[smem:$0x3FAE] =	sst s2  }
0xb: {  	[smem:$0x3FAF] =	sst s3  }
0xc: {  	[smem:$0x3FB0] =	sst s4  }
0xd: {  	[smem:$0x3FB1] =	sst s5  }
0xe: {  	[smem:$0x3FB2] =	sst s6  }
0xf: {  	[smem:$0x3FB3] =	sst s7  }
0x10: {  	[smem:$0x3FB4] =	sst s8  }
0x11: {  	[smem:$0x3FB5] =	sst s9;
	s0 =	simm.s32 @!p0 $0x0  }
0x12: {  	s1 =	sld [smem:$0x3F9B];
	s0 =	simm.s32 @p0 $0x1  }
0x13: {  	[smem:$0x3FB6] =	sst s0;
	s0 =	simm.s32 @!p1 $0x0  }
0x14: {  	s2 =	sld [smem:$0x3F9A];
	s0 =	simm.s32 @p1 $0x1  }
0x15: {  	[smem:$0x3FB7] =	sst s0;
	s0 =	simm.s32 @!p2 $0x0  }
0x16: {  	s3 =	sld [smem:$0x3FDB];
	s0 =	simm.s32 @p2 $0x1  }
0x17: {  	s4 =	simm.s32 $0x1BF5;
	[smem:$0x3FB9] =	sst s0  }
0x18: {  	s0 =	sld [smem:$0x3F9C];
	_ =	swait.ge [sflag:s4], $0x0  }
0x19: {  	s7 =	sld [smem:$0x3F9D]  }
0x1a: {  	s8 =	sadd.s32 $0xFFFFE003, lr  }
0x1b: {  	s9 =	sadd.s32 $0xFFFFFEF7, lr;
	s5 =	simm.s32 $0xFFFFFFFF;
	p2 =	slt.u32 s8, $0xFFFFF086  }
0x1c: {  	p1 =	slt.u32 s9, $0xF7A;
	s5 =	simm.s32 @!p2 $0x0  }
0x1d: {  	s5 =	simm.s32 @p1 $0x1;
	p0 =	seq.s32 s7, s2  }
0x1e: {  	s7 =	smul.u32 @!p0 $0xF7A, s2;
	p2 =	seq.s32 @!p0 s5, $0x0  }
0x1f: {  	s9 =	smul.u32 $0xF7A, s1;
	s8 =	simm.s32 @!p0 $0x1BF5;
	p2 =	por !p2, p0  }
0x20: {  	[sflag:s8] =	ssyncset.s32 @!p0 $0xFFFFF086;
	s6 =	sadd.s32 @!p0 s3, s7;
	s7 =	simm.s32 @!p0 $0x108  }
0x21: {  	s3 =	sadd.s32 s3, s9;
	s6 =	sadd.s32 @!p0 $0x88, s6;
	s7 =	simm.s32 @p2 $0x1082  }
0x22: {  	[simem:s7], [sflag:s8] =	dma.local @!p0 [hbm:s6], $0xF7A  }
0x23: {  	s9 =	sor.u32 $0xD0000000, s2;
	s6 =	simm.s32 $0x108;
	_ =	swait.ge @!p0 [sflag:s8], $0x0  }
0x24: {  	s3 =	sadd.s32 $0x88, s3;
	s6 =	simm.s32 @!p1 $0x1082;
	[sflag:s4] =	ssyncset.s32 $0xFFFFF086  }
0x25: {  	[simem:s6], [sflag:s4] =	dma.local [hbm:s3], $0xF7A  }
0x26: {  	[smem:$0x3F9D] =	sst s1;
	(tag) =	ssettag s2;
	_ =	strace s9  }
0x27: {  	s1 =	sld [smem:$0x3FAD]  }
0x28: {  	s2 =	sld [smem:$0x3FAE]  }
0x29: {  	s4 =	sld [smem:$0x3FB0]  }
0x2a: {  	p0 =	seq.s32 s5, $0x0;
	s5 =	sld [smem:$0x3FB1]  }
0x2b: {  	s6 =	sld [smem:$0x3FB2]  }
0x2c: {  	s7 =	sld [smem:$0x3FB3]  }
0x2d: {  	s3 =	simm.s32 $0x108;
	s8 =	sld [smem:$0x3FB4]  }
0x2e: {  	s3 =	simm.s32 @!p0 $0x1082;
	s9 =	sld [smem:$0x3FB5]  }
0x2f: {  	lr =	sadd.s32 s0, s3;
	s0 =	sld [smem:$0x3FAC]  }
0x30: {  	s3 =	sld [smem:$0x3FAF]  }
0x31: {  	[smem:$0x3FB8] =	sst s10  }
0x32: {  	s10 =	sld [smem:$0x3FB6];
	_ =	sdelay $0x3  }
0x33: {  	p0 =	seq.s32 s10, $0x1;
	s10 =	sld [smem:$0x3FB8];
	_ =	sdelay $0x3  }
0x34: {  	[smem:$0x3FB8] =	sst s10  }
0x35: {  	s10 =	sld [smem:$0x3FB7];
	_ =	sdelay $0x3  }
0x36: {  	p1 =	seq.s32 s10, $0x1;
	s10 =	sld [smem:$0x3FB8];
	_ =	sdelay $0x3  }
0x37: {  	[smem:$0x3FB8] =	sst s10  }
0x38: {  	s10 =	sld [smem:$0x3FB9]  }
0x39: {  	_ = 	snop;
	(pc) =	sbr.ind lr, $3  }
0x3a: {  	_ = 	snop  }
0x3b: {  	_ = 	snop  }
0x3c: {  	p2 =	seq.s32 s10, $0x1;
	s10 =	sld [smem:$0x3FB8]  }
0x3d: {  	_ =	shalt  }
0x3e: {  	_ =	shalt  }
0x3f: {  	_ =	shalt  }
0x40: {  	_ =	shalt  }
0x41: {  	_ =	shalt  }
0x42: {  	_ =	shalt  }
0x43: {  	_ =	shalt  }
0x44: {  	_ =	shalt  }
0x45: {  	_ =	shalt  }
0x46: {  	_ =	shalt  }
0x47: {  	_ =	shalt  }
0x48: {  	_ =	shalt  }
0x49: {  	_ =	shalt  }
0x4a: {  	_ =	shalt  }
0x4b: {  	_ =	shalt  }
0x4c: {  	_ =	shalt  }
0x4d: {  	_ =	shalt  }
0x4e: {  	_ =	shalt  }
0x4f: {  	_ =	shalt  }
0x50: {  	_ =	shalt  }
0x51: {  	_ =	shalt  }
0x52: {  	_ =	shalt  }
0x53: {  	_ =	shalt  }
0x54: {  	_ =	shalt  }
0x55: {  	_ =	shalt  }
0x56: {  	_ =	shalt  }
0x57: {  	_ =	shalt  }
0x58: {  	_ =	shalt  }
0x59: {  	_ =	shalt  }
0x5a: {  	_ =	shalt  }
0x5b: {  	_ =	shalt  }
0x5c: {  	_ =	shalt  }
0x5d: {  	_ =	shalt  }
0x5e: {  	_ =	shalt  }
0x5f: {  	_ =	shalt  }
0x60: {  	_ =	shalt  }
0x61: {  	_ =	shalt  }
0x62: {  	_ =	shalt  }
0x63: {  	_ =	shalt  }
0x64: {  	_ =	shalt  }
0x65: {  	_ =	shalt  }
0x66: {  	_ =	shalt  }
0x67: {  	_ =	shalt  }
0x68: {  	_ =	shalt  }
0x69: {  	_ =	shalt  }
0x6a: {  	_ =	shalt  }
0x6b: {  	_ =	shalt  }
0x6c: {  	_ =	shalt  }
0x6d: {  	_ =	shalt  }
0x6e: {  	_ =	shalt  }
0x6f: {  	_ =	shalt  }
0x70: {  	_ =	shalt  }
0x71: {  	_ =	shalt  }
0x72: {  	_ =	shalt  }
0x73: {  	_ =	shalt  }
0x74: {  	_ =	shalt  }
0x75: {  	_ =	shalt  }
0x76: {  	_ =	shalt  }
0x77: {  	_ =	shalt  }
0x78: {  	_ =	shalt  }
0x79: {  	_ =	shalt  }
0x7a: {  	_ =	shalt  }
0x7b: {  	_ =	shalt  }
0x7c: {  	_ =	shalt  }
0x7d: {  	_ =	shalt  }
0x7e: {  	_ =	shalt  }
0x7f: {  	_ =	shalt  }
0x80: {  	_ =	shalt  }
0x81: {  	_ =	shalt  }
0x82: {  	_ =	shalt  }
0x83: {  	_ =	shalt  }
0x84: {  	_ =	shalt  }
0x85: {  	_ =	shalt  }
0x86: {  	_ =	shalt  }
0x87: {  	_ =	shalt  }
.Lfunc_end0:
.L_simem_size_0:
called_computation_lowered:
.L_overlay_start_0:
0x88: {  	s2 =	sld [smem:$0x3FD9]  }
0x89: {  	s3 =	sld [smem:$0x3FFE];
	_ =	sdelay $0x1  }
0x8a: {  	s1 =	srdreg.scid  }
0x8b: {  	s0 =	sand.u32 $0x1, s1  }
0x8c: {  	s17 =	sshll.u32 s0, $0xA;
	s2 =	sadd.s32 s3, s2  }
0x8d: {  	s2 =	sadd.s32 s2, s17  }
0x8e: {  	[smem:$0x3FC4] =	sst s2  }
0x8f: {  	_ = 	snop  }
0x90: {  	s2 =	sld [smem:$0x3FC9]  }
0x91: {  	s18 =	sld [smem:$0x3FD0];
	(tm) =	ssettm $0x1  }
0x92: {  	s4 =	sld [smem:$0x3FFB];
	_ =	sdelay $0x3  }
0x93: {  	_ =	strace s4  }
0x94: {  	s4 =	sld [smem:$0x3FFC];
	_ =	sdelay $0x3  }
0x95: {  	_ =	strace s4  }
0x96: {  	s4 =	sld [smem:$0x3FFD];
	_ =	sdelay $0x3  }
0x97: {  	_ =	strace s4  }
0x98: {  	_ =	strace $0x8FFFFFFF  }
0x99: {  	s19 =	sld [smem:$0x3FDB];
	_ =	sdelay $0x1  }
0x9a: {  	s5 =	simm.s32 $_scs_section_size  }
0x9b: {  	s6 =	simm.s32 $_size__tile_overlayer_lowered;
	s7 =	simm.s32 $_tile_overlayer_lowered  }
0x9c: {  	s22 =	simm.s32 $0x1BFF;
	s21 =	sshll.u32 s7, $0x1;
	s4 =	sadd.s32 s5, s19  }
0x9d: {  	s8 =	simm.s32 $0x0;
	s20 =	sshll.u32 s6, $0x1;
	s6 =	sadd.s32 s21, s4  }
0x9e: {  	[timem:s8], [sflag:s22] =	dma.local [hbm:s6], s20  }
0x9f: {  	_ =	swait.ge [sflag:s22], s20  }
0xa0: {  	s5 =	ssub.s32 $0x0, s20;
	[sflag:s22] =	ssyncset.done $0x0  }
0xa1: {  	[sflag:s22] =	ssyncadd.s32 s5;
	_ =	sdelay $0x1  }
0xa2: {  	s23 =	simm.s32 $0x1B8B  }
0xa3: {  	_ =	swait.ge [sflag:s23], $0x1  }
0xa4: {  	[sflag:s23] =	ssyncset.done $0x0  }
0xa5: {  	s25 =	simm.s32 $0x1B8E;
	s24 =	sld [smem:$0x3FFE];
	[sflag:s23] =	ssyncadd.s32 $0xFFFFFFFF  }
0xa6: {  	s26 =	simm.s32 $execute0_lowered;
	[smem:$0x3FD2] =	sst s25  }
0xa7: {  	s6 =	sshll.u32 s26, $0x1;
	_ =	strace $0x80000046;
	[dreg:$0x1] =	wrdreg $0xFFFFFFFF  }
0xa8: {  	s28 =	simm.s32 $_size_execute0_lowered;
	s4 =	sadd.s32 s4, s6;
	[dreg:$0x0] =	wrdreg $0x0  }
0xa9: {  	s6 =	sshll.u32 s28, $0x1;
	[dreg:$0x2] =	wrdreg s4  }
0xaa: {  	[dreg:$0x3] =	wrdreg s6  }
0xab: {  	[dreg:$0x4] =	wrdreg $0xC0  }
0xac: {  	_ =	task [dreg:s8], $0x5FFFF  }
0xad: {  	[dreg:$0x1] =	wrdreg $0xFFFFFFFF  }
0xae: {  	[dreg:$0x0] =	wrdreg $0x60  }
0xaf: {  	[dreg:$0x2] =	wrdreg s2  }
0xb0: {  	[dreg:$0x3] =	wrdreg s24  }
0xb1: {  	[dreg:$0x4] =	wrdreg s18  }
0xb2: {  	[dreg:$0x5] =	wrdreg $0x52000  }
0xb3: {  	[dreg:$0x6] =	wrdreg $0x9  }
0xb4: {  	_ =	task.clear_ibuf [dreg:s8], $0x7FFFF;
	_ =	strace $0x90000046  }
0xb5: {  	s29 =	simm.s32 $0x9;
	_ =	strace $0x80000048  }
0xb6: {  	_ =	swait.ge [sflag:s29], $0x1  }
0xb7: {  	[sflag:s29] =	ssyncadd.s32 $0xFFFFFFFF  }
0xb8: {  	_ =	strace $0x90000048  }
0xb9: {  	_ =	sfence  }
0xba: {  	s30 =	sld [smem:$0x0];
	_ =	sdelay $0x2  }
0xbb: {  	s31 =	sshll.u32 s1, $0xD;
	s1 =	sshrl.u32 s1, $0x2  }
0xbc: {  	s3 =	sand.u32 $0x4000, s31;
	s1 =	sadd.s32 s1, s30  }
0xbd: {  	s0 =	sor.u32 s3, s0;
	s1 =	sshll.u32 s1, $0x11  }
0xbe: {  	s0 =	sor.u32 s1, s0  }
0xbf: {  	s0 =	sadd.s32 $0x8F2B, s0  }
0xc0: {  	[sflag:s0] =	ssyncadd.remote.s32 $0x1  }
0xc1: {  	_ =	sfence.sel $0xFFFF  }
0xc2: {  	[dreg:$0x0] =	wrdreg $0xFFFFFFFF;
	(pc) =	sbr.abs _section_cstart, $3  }
0xc3: {  	[dreg:$0x1] =	wrdreg $0xFFFFFFFF  }
0xc4: {  	_ =	task.clear_ibuf [dreg:s8], $0x2FFFF;
	_ =	strace $0x9FFFFFFF  }
0xc5: {  	(tm) =	ssettm $0x7FFFFFFF  }
tec
execute0_lowered:
.L_overlay_start_1:
0x0: {  	(tag) =	ssettag $0x1  }
0x1: {  	s1 =	rddreg [dreg:$0x0]  }
0x2: {  	s5 =	rddreg [dreg:$0x1]  }
0x3: {  	s11 =	rddreg [dreg:$0x2]  }
0x4: {  	s2 =	rddreg [dreg:$0x3]  }
0x5: {  	s0 =	rddreg [dreg:$0x4]  }
0x6: {  	s4 =	simm.s32 $0x0;
	s3 =	srdreg.scid;
	s16 =	simm.s32 $0x100  }
0x7: {  	s17 =	simm.s32 $0x4100;
	s18 =	simm.s32 $0x4180;
	s19 =	simm.s32 $0x10  }
0x8: {  	s20 =	simm.s32 $0x4200;
	[smem:$0x7FF] =	sst s4;
	s6 =	sand.u32 $0x1, s3  }
0x9: {  	s21 =	simm.s32 $0x0;
	s3 =	stileid.u32;
	s7 =	smul.u32 $0x138800, s6  }
0xa: {  	s10 =	sadd.s32 $0x200, s5;
	_ =	strace $0x80000047;
	s8 =	sshll.u32 s3, $0xB  }
0xb: {  	s9 =	sshll.u32 s3, $0x1;
	s12 =	ssub.s32 $0x2, s6;
	s14 =	smul.u32 $0x4E20, s3  }
0xc: {  	s30 =	ssub.s32 $0x280, s3;
	s15 =	smul.u32 $0x2710, s6;
	s9 =	sor.u32 s6, s9  }
0xd: {  	s29 =	sshrl.u32 s12, $0x1;
	s6 =	sadd.s32 s8, s2;
	s9 =	smul.u32 $0x2710, s9  }
0xe: {  	s7 =	sadd.s32 s8, s7;
	s12 =	ssub.s32 s12, s29;
	s14 =	sadd.s32 s15, s14  }
0xf: {  	s15 =	simm.s32 $0x80;
	s7 =	sshrl.u32 s7, $0x3;
	s9 =	sshrl.u32 s9, $0x3  }
0x10: {  	s31 =	sshrl.u32 s14, $0x3;
	s14 =	simm.s32 $0x1;
	s9 =	sadd.s32 $0x4E0, s9  }
0x11: {  	s13 =	sadd.s32 s7, s5;
	s5 =	sshrl.u32 s30, $0x4;
	s7 =	sadd.s32 s11, s9  }
0x12: {  	s8 =	sadd.s32 s10, s9;
	s9 =	smax.u32 s12, $0x1;
	s10 =	sadd.s32 s31, s10  }
0x13: {  	v0 =	vimm.f32 $0.0e+00;
	s11 =	sadd.s32 s31, s11;
	s12 =	sadd.s32 $0xA000, s13;
	s13 =	simm.s32 $0x4A00  }
.LBB2_1:
0x14: {  	s22 =	simm.s32 $0x0;
	s23 =	simm.s32 $0x200  }
.LBB2_2:
0x15: {  	p0 =	sne.s32 s23, $0x1E00;
	[tilespmem:s22+$0x4A70] =	vst v0  }
0x16: {  	[tilespmem:s22+$0x4A00] =	vst v0  }
0x17: {  	[tilespmem:s22+$0x4A10] =	vst v0  }
.Ltmp0:
0x18: {  	[tilespmem:s22+$0x4A20] =	vst v0;
	(pc) =	sbr.rel @p0 .LBB2_2-.Ltmp0, $4  }
0x19: {  	[tilespmem:s22+$0x4A30] =	vst v0  }
0x1a: {  	[tilespmem:s22+$0x4A40] =	vst v0  }
0x1b: {  	[tilespmem:s22+$0x4A50] =	vst v0  }
0x1c: {  	[tilespmem:s22+$0x4A60] =	vst v0;
	s22 =	sshra.s32 s23, $0x2;
	s23 =	sadd.s32 $0x200, s23  }
0x1d: {  	[tilespmem:s22+$0x4A70] =	vst v0  }
0x1e: {  	[tilespmem:s22+$0x4A00] =	vst v0  }
0x1f: {  	[tilespmem:s22+$0x4A10] =	vst v0  }
0x20: {  	[tilespmem:s22+$0x4A20] =	vst v0  }
0x21: {  	[tilespmem:s22+$0x4A30] =	vst v0  }
0x22: {  	[tilespmem:s22+$0x4A40] =	vst v0;
	p0 =	sne.s32 s5, $0x1  }
.Ltmp1:
0x23: {  	[tilespmem:s22+$0x4A50] =	vst v0;
	(pc) =	sbr.rel @!p0 .LBB2_5-.Ltmp1, $4  }
0x24: {  	[tilespmem:s22+$0x4A60] =	vst v0  }
0x25: {  	[spmem:s6] =	stream.linear.scatter [tilespmem:s13], [sflag:$0x1], $0x800, $0x38;
	[tilespmem:$0x18A80] =	vst v63  }
0x26: {  	_ =	swait.ge [sflag:s14], $0x800  }
0x27: {  	s22 =	sadd.s32 $0xFFFFFFFF, s5;
	s23 =	smov.u32 s6;
	[sflag:s14] =	ssyncset.done $0x0  }
.LBB2_4:
0x28: {  	p1 =	sne.s32 s22, $0x1;
	[sflag:s14] =	ssyncadd.s32 $0xFFFFF800;
	s23 =	sadd.s32 $0x8000, s23  }
.Ltmp2:
0x29: {  	s22 =	sadd.s32 $0xFFFFFFFF, s22;
	(pc) =	sbr.rel @p1 .LBB2_4-.Ltmp2, $4  }
0x2a: {  	_ = 	snop  }
0x2b: {  	[spmem:s23] =	stream.linear.scatter [tilespmem:s13], [sflag:$0x1], $0x800, $0x38;
	[tilespmem:$0x18A80] =	vst v63  }
0x2c: {  	_ =	swait.ge [sflag:s14], $0x800  }
0x2d: {  	[sflag:s14] =	ssyncset.done $0x0  }
.LBB2_5:
0x2e: {  	[sflag:s14] =	ssyncadd.s32 $0xFFFFF800  }
0x2f: {  	s22 =	sadd.s32 $0x0, s11;
	[bflag:$0x0] =	sbarrier.arrive $0xFFFF  }
0x30: {  	[tilespmem:s4], [sflag:$0x1] =	stream.linear.gather [hbm4b:s22+s4], $0x80, $0x38;
	[tilespmem:$0x18A80] =	vst v63  }
0x31: {  	_ =	swait.ge [sflag:s14], $0x80  }
0x32: {  	[sflag:s14] =	ssyncset.done $0x0  }
0x33: {  	s31 =	sadd.s32 $0x0, s10;
	[sflag:s14] =	ssyncadd.s32 $0xFFFFFF80  }
0x34: {  	[tilespmem:s15], [sflag:$0x1] =	stream.linear.gather [hbm4b:s31+s4], $0x80, $0x38;
	[tilespmem:$0x18A80] =	vst v63  }
0x35: {  	_ =	swait.ge [sflag:s14], $0x80  }
0x36: {  	[sflag:s14] =	ssyncset.done $0x0  }
0x37: {  	[sflag:s14] =	ssyncadd.s32 $0xFFFFFF80  }
0x38: {  	[tilespmem:s16], [sflag:$0x1] =	stream.indirect.gather [hbm4b:s1+s15], $0x80, s4, s15, $0xb8;
	[tilespmem:$0x18A80] =	vst v63  }
0x39: {  	_ =	swait.ge [sflag:s14], $0x4000  }
0x3a: {  	[sflag:s14] =	ssyncset.done $0x0  }
0x3b: {  	[sflag:s14] =	ssyncadd.s32 $0xFFFFC000  }
0x3c: {  	[spmem:s2] =	stream.indirect.scatter.add.f32 [tilespmem:s16], [sflag:$0x1], $0x80, s15, s15, $0xb8;
	[tilespmem:$0x18A80] =	vst v63  }
0x3d: {  	_ =	swait.ge [sflag:s14], $0x4000  }
0x3e: {  	s23 =	simm.s32 $0x20;
	s22 =	simm.s32 $0x10;
	[sflag:s14] =	ssyncset.done $0x0  }
.LBB2_6:
0x3f: {  	s24 =	sadd.s32 s22, s11  }
0x40: {  	[sflag:s14] =	ssyncadd.s32 $0xFFFFC000;
	s25 =	smov.u32 s23;
	s26 =	sadd.s32 $0x10, s23  }
0x41: {  	[tilespmem:s4], [sflag:$0x1] =	stream.linear.gather [hbm4b:s24+s4], $0x80, $0x38;
	[tilespmem:$0x18A80] =	vst v63  }
0x42: {  	p1 =	sne.s32 s23, $0x4D0;
	_ =	swait.ge [sflag:s14], $0x80  }
0x43: {  	[sflag:s14] =	ssyncset.done $0x0  }
0x44: {  	s23 =	sadd.s32 s22, s10;
	s22 =	smov.u32 s25;
	[sflag:s14] =	ssyncadd.s32 $0xFFFFFF80  }
0x45: {  	[tilespmem:s15], [sflag:$0x1] =	stream.linear.gather [hbm4b:s23+s4], $0x80, $0x38;
	[tilespmem:$0x18A80] =	vst v63  }
0x46: {  	_ =	swait.ge [sflag:s14], $0x80  }
0x47: {  	[sflag:s14] =	ssyncset.done $0x0  }
0x48: {  	[sflag:s14] =	ssyncadd.s32 $0xFFFFFF80  }
0x49: {  	[tilespmem:s16], [sflag:$0x1] =	stream.indirect.gather [hbm4b:s1+s15], $0x80, s4, s15, $0xb8;
	[tilespmem:$0x18A80] =	vst v63  }
0x4a: {  	_ =	swait.ge [sflag:s14], $0x4000  }
.Ltmp3:
0x4b: {  	[sflag:s14] =	ssyncset.done $0x0;
	(pc) =	sbr.rel @p1 .LBB2_6-.Ltmp3, $4  }
0x4c: {  	[sflag:s14] =	ssyncadd.s32 $0xFFFFC000  }
0x4d: {  	[spmem:s2] =	stream.indirect.scatter.add.f32 [tilespmem:s16], [sflag:$0x1], $0x80, s15, s15, $0xb8;
	[tilespmem:$0x18A80] =	vst v63  }
0x4e: {  	_ =	swait.ge [sflag:s14], $0x4000  }
0x4f: {  	s23 =	smov.u32 s26;
	[sflag:s14] =	ssyncset.done $0x0  }
0x50: {  	s23 =	sadd.s32 s22, s11;
	[sflag:s14] =	ssyncadd.s32 $0xFFFFC000  }
0x51: {  	[tilespmem:s4], [sflag:$0x1] =	stream.linear.gather [hbm4b:s23+s4], $0x80, $0x38;
	[tilespmem:$0x18A80] =	vst v63  }
0x52: {  	_ =	swait.ge [sflag:s14], $0x80  }
0x53: {  	[sflag:s14] =	ssyncset.done $0x0  }
0x54: {  	s29 =	sadd.s32 s22, s10;
	[sflag:s14] =	ssyncadd.s32 $0xFFFFFF80  }
0x55: {  	[tilespmem:s15], [sflag:$0x1] =	stream.linear.gather [hbm4b:s29+s4], $0x80, $0x38;
	[tilespmem:$0x18A80] =	vst v63  }
0x56: {  	_ =	swait.ge [sflag:s14], $0x80  }
0x57: {  	[sflag:s14] =	ssyncset.done $0x0  }
0x58: {  	[sflag:s14] =	ssyncadd.s32 $0xFFFFFF80  }
0x59: {  	[tilespmem:s16], [sflag:$0x1] =	stream.indirect.gather [hbm4b:s1+s15], $0x80, s4, s15, $0xb8;
	[tilespmem:$0x18A80] =	vst v63  }
0x5a: {  	_ =	swait.ge [sflag:s14], $0x4000  }
0x5b: {  	[sflag:s14] =	ssyncset.done $0x0  }
0x5c: {  	[sflag:s14] =	ssyncadd.s32 $0xFFFFC000  }
0x5d: {  	[spmem:s2] =	stream.indirect.scatter.add.f32 [tilespmem:s16], [sflag:$0x1], $0x80, s15, s15, $0xb8;
	[tilespmem:$0x18A80] =	vst v63  }
0x5e: {  	_ =	swait.ge [sflag:s14], $0x4000  }
0x5f: {  	[sflag:s14] =	ssyncset.done $0x0  }
0x60: {  	[sflag:s14] =	ssyncadd.s32 $0xFFFFC000  }
0x61: {  	[tilespmem:s17], [sflag:$0x1] =	stream.linear.gather [hbm4b:s7+s4], $0x10, $0x38;
	[tilespmem:$0x18A80] =	vst v63  }
0x62: {  	_ =	swait.ge [sflag:s14], $0x10  }
0x63: {  	[sflag:s14] =	ssyncset.done $0x0  }
0x64: {  	[sflag:s14] =	ssyncadd.s32 $0xFFFFFFF0  }
0x65: {  	[tilespmem:s18], [sflag:$0x1] =	stream.linear.gather [hbm4b:s8+s4], $0x10, $0x38;
	[tilespmem:$0x18A80] =	vst v63  }
0x66: {  	_ =	swait.ge [sflag:s14], $0x10  }
0x67: {  	[sflag:s14] =	ssyncset.done $0x0  }
0x68: {  	[sflag:s14] =	ssyncadd.s32 $0xFFFFFFF0  }
0x69: {  	[tilespmem:s20], [sflag:$0x1] =	stream.indirect.gather [hbm4b:s1+s19], $0x80, s17, s19, $0xb8;
	[tilespmem:$0x18A80] =	vst v63  }
0x6a: {  	_ =	swait.ge [sflag:s14], $0x800  }
0x6b: {  	[sflag:s14] =	ssyncset.done $0x0  }
0x6c: {  	[sflag:s14] =	ssyncadd.s32 $0xFFFFF800  }
0x6d: {  	[spmem:s2] =	stream.indirect.scatter.add.f32 [tilespmem:s20], [sflag:$0x1], $0x80, s18, s19, $0xb8;
	[tilespmem:$0x18A80] =	vst v63  }
0x6e: {  	_ =	swait.ge [sflag:s14], $0x800  }
.Ltmp4:
0x6f: {  	[sflag:s14] =	ssyncset.done $0x0;
	(pc) =	sbr.rel @!p0 .LBB2_9-.Ltmp4, $4  }
0x70: {  	s30 =	sshll.u32 s3, $0x6;
	s31 =	sshrl.u32 s6, $0x3;
	[sflag:s14] =	ssyncadd.s32 $0xFFFFF800  }
0x71: {  	s24 =	sadd.s32 $0x1000, s12;
	s22 =	sor.u32 $0x1C01, s30;
	[bflag:$0x0] =	sbarrier.arrive $0xFFFF  }
0x72: {  	[hbm:s12], [sflag:s22] =	dma.local [spmem:s31], $0x100  }
0x73: {  	s25 =	smov.u32 s6;
	s23 =	sadd.s32 $0xFFFFFFFF, s5;
	_ =	swait.ge [sflag:s14], $0x100  }
.LBB2_8:
0x74: {  	[sflag:s14] =	ssyncset.done $0x0;
	s25 =	sadd.s32 $0x8000, s25;
	p0 =	sne.s32 s23, $0x1  }
.Ltmp5:
0x75: {  	s26 =	sshrl.u32 s25, $0x3;
	[sflag:s14] =	ssyncadd.s32 $0xFFFFFF00;
	(pc) =	sbr.rel @p0 .LBB2_8-.Ltmp5, $3  }
0x76: {  	[hbm:s24], [sflag:s22] =	dma.local [spmem:s26], $0x100  }
0x77: {  	s23 =	sadd.s32 $0xFFFFFFFF, s23;
	_ =	sdelay $0x1  }
0x78: {  	s24 =	sadd.s32 $0x1000, s24;
	_ =	swait.ge [sflag:s14], $0x100  }
.LBB2_9:
0x79: {  	s21 =	sadd.s32 $0x1, s21  }
0x7a: {  	p0 =	sne.s32 s21, s9  }
.Ltmp6:
0x7b: {  	_ = 	snop;
	(pc) =	sbr.rel @p0 .LBB2_1-.Ltmp6, $3  }
0x7c: {  	_ =	sdelay $0x1  }
0x7d: {  	[sflag:s14] =	ssyncset.done $0x0  }
0x7e: {  	[sflag:s14] =	ssyncadd.s32 $0xFFFFFF00  }
0x7f: {  	_ =	sfence.sel $0x180000  }
0x80: {  	[bflag:$0x0] =	sbarrier.arrive $0xFFFF  }
0x81: {  	p0 =	sne.s32 s3, $0x0;
	_ =	strace $0x90000047  }
0x82: {  	s0 =	sadd.s32 @!p0 $0x100000, s0;
	[bflag:$0x2] =	sbarrier.arrive $0xFFFF  }
0x83: {  	[sflag:s0] =	ssyncadd.tile.s32 @!p0 $0x1;
	_ =	shalt  }
.Lfunc_end2:
_tile_overlayer_lowered:
.L_overlay_start_2:
0x84: {  	(tag) =	ssettag $0x2  }
0x85: {  	s0 =	rddreg [dreg:$0x0];
	s2 =	stileid.u32  }
0x86: {  	s1 =	rddreg [dreg:$0x1];
	p0 =	sne.s32 s2, $0x0  }
0x87: {  	s3 =	rddreg [dreg:$0x2];
	[bflag:$0x3] =	sbarrier.arrive $0xFFFF;
	s2 =	simm.s32 @!p0 $0x1C01  }
0x88: {  	[timem:s3], [sflag:s2] =	dma.local @!p0 [hbm:s0], s1  }
0x89: {  	s0 =	simm.s32 @!p0 $0x1  }
0x8a: {  	_ =	swait.ge @!p0 [sflag:s0], s1  }
0x8b: {  	s1 =	ssub.s32 @!p0 $0x0, s1;
	[sflag:s0] =	ssyncset.done @!p0 $0x0  }
0x8c: {  	[sflag:s0] =	ssyncadd.s32 @!p0 s1  }
0x8d: {  	[bflag:$0x3] =	sbarrier.arrive $0xFFFF  }
0x8e: {  	_ =	shalt  }

</sc_bundles>
